<compile_context>
chip_gen: v7x
topology: tpu7x:2x2x1
jax: 0.10.2.dev20260603
libtpu: 0.0.44.dev20260713+nightly
codegen_flags: <defaults>
</compile_context>

<pallas_src>
import functools

import jax
import jax.numpy as jnp
from jax import lax
from jax.experimental import pallas as pl
from jax.experimental.pallas import tpu as pltpu
from jax.experimental.pallas import tpu_sc as plsc

_B = 8192
_K = 8192
_D = 64
_BM = 256
_CHUNK = 2048
_WIDE = 1.0 + 2.0 ** -17


def _rne_bf16(v):
    u = lax.bitcast_convert_type(v, jnp.int32)
    u = (u + jnp.int32(0x7FFF) + ((u >> 16) & jnp.int32(1))) \
        & jnp.int32(-65536)
    return lax.bitcast_convert_type(u, jnp.float32)


def _dist_body(zz_ref, cb_ref, z2_ref, c2_ref, idx_ref, loss_ref,
               sv_ref, si_ref):
    i = pl.program_id(0)
    zz = zz_ref[...]
    cb = cb_ref[...]
    z2 = z2_ref[...]
    c2 = c2_ref[...]
    zc2 = lax.dot_general(zz, cb, (((1,), (1,)), ((), ())),
                          preferred_element_type=jnp.float32)
    sub = (z2 + c2) - zc2
    iota = lax.broadcasted_iota(jnp.int32, (_BM, _CHUNK), 1)

    acc_v = acc_e = acc_i = None
    for c in range(_K // _CHUNK):
        seg = sub[:, c * _CHUNK:(c + 1) * _CHUNK]
        md2 = jnp.min(seg, axis=1, keepdims=True)
        mx = jnp.maximum(md2, 0.0)
        thr = mx * jnp.float32(_WIDE) + jnp.float32(1e-37)
        q = jnp.where(seg <= thr, iota, _CHUNK)
        minq = jnp.min(q, axis=1, keepdims=True)
        sumq = jnp.sum(q, axis=1, keepdims=True)
        singleton = (sumq - minq) == (_CHUNK - 1) * _CHUNK
        sv_ref[...] = jnp.sqrt(mx)
        si_ref[...] = minq + c * _CHUNK

        @pl.when(jnp.logical_not(jnp.all(singleton)))
        def _(seg=seg):
            dists = jnp.maximum(seg, 0.0)
            dists = jnp.sqrt(dists)
            m = jnp.min(dists, axis=1, keepdims=True)
            ci = jnp.min(jnp.where(dists == m, iota, _CHUNK), axis=1,
                         keepdims=True)
            sv_ref[...] = m
            si_ref[...] = ci + c * _CHUNK

        m_c = sv_ref[...]
        i_c = si_ref[...]
        if acc_v is None:
            acc_v, acc_e, acc_i = _rne_bf16(m_c), m_c, i_c
        else:
            take = m_c < acc_v
            acc_i = jnp.where(take, i_c, acc_i)
            acc_e = jnp.where(take, m_c, acc_e)
            acc_v = _rne_bf16(jnp.where(take, m_c, acc_v))
    idx_ref[...] = acc_i

    @pl.when(i == 0)
    def _():
        loss_ref[...] = jnp.zeros((1, 1), jnp.float32)

    loss_ref[...] += jnp.sum(acc_e * acc_e, keepdims=True)


_dist_call = pl.pallas_call(
    _dist_body,
    grid=(_B // _BM,),
    in_specs=[
        pl.BlockSpec((_BM, _D), lambda i: (i, 0)),
        pl.BlockSpec((_K, _D), lambda i: (0, 0)),
        pl.BlockSpec((_BM, 1), lambda i: (i, 0)),
        pl.BlockSpec((1, _K), lambda i: (0, 0)),
    ],
    out_specs=[
        pl.BlockSpec((_BM, 1), lambda i: (i, 0)),
        pl.BlockSpec((1, 1), lambda i: (0, 0)),
    ],
    out_shape=[
        jax.ShapeDtypeStruct((_B, 1), jnp.int32),
        jax.ShapeDtypeStruct((1, 1), jnp.float32),
    ],
    scratch_shapes=[
        pltpu.VMEM((_BM, 1), jnp.float32),
        pltpu.VMEM((_BM, 1), jnp.int32),
    ],
)

_DP = 128


@functools.cache
def _make_gather():
    info = plsc.get_sparse_core_info()
    nc, ns = info.num_cores, info.num_subcores
    nw = nc * ns
    b_per_w = _B // nw
    mesh = plsc.VectorSubcoreMesh(core_axis_name="c", subcore_axis_name="s")

    @functools.partial(
        pl.kernel, mesh=mesh,
        out_type=jax.ShapeDtypeStruct((_B, _DP), jnp.float32),
        scratch_types=[
            pltpu.VMEM((b_per_w,), jnp.int32),
            pltpu.VMEM((b_per_w, _DP), jnp.float32),
            pltpu.SemaphoreType.DMA,
        ],
    )
    def gather_k(cb_hbm, idx_hbm, out_hbm, idx_v, rows_v, sem):
        wid = lax.axis_index("s") * nc + lax.axis_index("c")
        base = wid * b_per_w
        pltpu.sync_copy(idx_hbm.at[pl.ds(base, b_per_w)], idx_v)
        pltpu.async_copy(cb_hbm.at[idx_v], rows_v, sem).wait()
        pltpu.sync_copy(rows_v, out_hbm.at[pl.ds(base, b_per_w)])

    return gather_k


def kernel(z, codebook):
    z2 = jnp.sum(z * z, axis=1, keepdims=True)
    c2 = jnp.sum(codebook * codebook, axis=1)[None, :]
    idx2d, loss_sum = _dist_call(2.0 * z, codebook, z2, c2)
    indices = idx2d.reshape(_B)
    cb_pad = jnp.concatenate([codebook, jnp.zeros_like(codebook)], axis=1)
    z_q = _make_gather()(cb_pad, indices)[:, :_D]
    commit_loss = (loss_sum[0, 0] / (_B * _D)).astype(jnp.float32)
    return (z_q, indices, commit_loss)

# --- scband reference (transcript-rebuilt; emitter-appended) ---
"""Pipeline reference for scband-vector-quantizer-30666066493667 (READ-ONLY COPY).

The authoritative reference and input builder live on the scoring server;
editing this copy changes nothing except your own understanding.
"""

import jax, jax.numpy as jnp
import numpy as np

NUM_CODES = 8192
CODE_DIM = 64
BATCH = 8192


def setup_inputs(seed: int = 0) -> dict:
    key = jax.random.key(seed)
    kz, kc = jax.random.split(key)
    z = jax.random.normal(kz, (BATCH, CODE_DIM), dtype=jnp.float32)
    # learned/EMA codebook buffer, initialized ~ torch.randn(num_codes, code_dim)
    codebook = jax.random.normal(kc, (NUM_CODES, CODE_DIM), dtype=jnp.float32)
    return {"z": z, "codebook": codebook}


def reference(z, codebook):
    # torch.cdist (p=2 Euclidean) via expanded squared-distance formula
    z2 = jnp.sum(z * z, axis=1, keepdims=True)            # (B, 1)
    c2 = jnp.sum(codebook * codebook, axis=1)[None, :]    # (1, K)
    d2 = z2 + c2 - 2.0 * (z @ codebook.T)                 # (B, K)
    dists = jnp.sqrt(jnp.clip(d2, 0.0, None))
    indices = jnp.argmin(dists, axis=-1)                  # (B,)
    z_q = jnp.take(codebook, indices, axis=0)             # (B, D) gather
    commit_loss = jnp.mean((z - jax.lax.stop_gradient(z_q)) ** 2)
    # straight-through estimator
    z_q_st = z + jax.lax.stop_gradient(z_q - z)
    return (z_q_st, indices, commit_loss)

if __name__ == "__main__":
    import jax
    _d = setup_inputs()
    print(jax.jit(kernel)(*tuple(_d.values())))

</pallas_src>

<mosaic_0001>
#map = affine_map<(d0, d1) -> (0, 0)>
#map1 = affine_map<(d0, d1) -> (0)>
module attributes {stable_mosaic.version = 14 : i64} {
  func.func @gather_k(%arg0: i32, %arg1: i32, %arg2: memref<8192x128xf32, #tpu.memory_space<hbm>>, %arg3: memref<8192xi32, #tpu.memory_space<hbm>>, %arg4: memref<8192x128xf32, #tpu.memory_space<hbm>>, %arg5: memref<256xi32, #tpu.memory_space<vmem>>, %arg6: memref<256x128xf32, #tpu.memory_space<vmem>>, %arg7: memref<!tpu.dma_semaphore, #tpu.memory_space<semaphore_mem>>) attributes {dimension_semantics = [#tpu.dimension_semantics<core_parallel>, #tpu.dimension_semantics<subcore_parallel>], iteration_bounds = array<i64: 2, 16>, scalar_prefetch = 0 : i64, scratch_operands = 3 : i64, tpu.core_type = #tpu.core_type<sc_vector_subcore>, window_params = [{transform_indices = #map}, {transform_indices = #map1}, {transform_indices = #map}]} {
    %mul3A = arith.constant 2 : i32
    %mul3A_0 = arith.muli %arg1, %mul3A : i32
    %add3A = arith.addi %mul3A_0, %arg0 : i32
    %mul3A_1 = arith.constant 256 : i32
    %mul3A_2 = arith.muli %add3A, %mul3A_1 : i32
    "tpu.region"() ({
      %run_scoped3A = tpu.sem_alloc : memref<!tpu.dma_semaphore, #tpu.memory_space<semaphore_mem>>
      %dma_start3A_7 = tpu.memref_slice %arg3[%mul3A_2] : memref<8192xi32, #tpu.memory_space<hbm>> -> memref<256xi32, #tpu.memory_space<hbm>>
      %dma_start3A_8 = tpu.memref_slice %arg3[%mul3A_2] : memref<8192xi32, #tpu.memory_space<hbm>> -> memref<256xi32, #tpu.memory_space<hbm>>
      tpu.enqueue_dma source(%dma_start3A_8 : memref<256xi32, #tpu.memory_space<hbm>>) target(%arg5 : memref<256xi32, #tpu.memory_space<vmem>>) target_semaphore(%run_scoped3A : memref<!tpu.dma_semaphore, #tpu.memory_space<semaphore_mem>>)
      %dma_wait3A_9 = tpu.memref_slice %arg3[%mul3A_2] : memref<8192xi32, #tpu.memory_space<hbm>> -> memref<256xi32, #tpu.memory_space<hbm>>
      %dma_wait3A_10 = tpu.memref_slice %arg3[%mul3A_2] : memref<8192xi32, #tpu.memory_space<hbm>> -> memref<256xi32, #tpu.memory_space<hbm>>
      tpu.wait_dma2 semaphore(%run_scoped3A : memref<!tpu.dma_semaphore, #tpu.memory_space<semaphore_mem>>) src(%dma_wait3A_10 : memref<256xi32, #tpu.memory_space<hbm>>) dst(%arg5 : memref<256xi32, #tpu.memory_space<vmem>>)
      tpu.yield
    }) : () -> ()
    %dma_start3A = arith.constant 0 : i32
    %dma_start3A_3 = arith.constant 0 : i32
    %dma_start3A_4 = tpu.memref_slice %arg2[%dma_start3A, %dma_start3A_3] : memref<8192x128xf32, #tpu.memory_space<hbm>> -> memref<8192x128xf32, #tpu.memory_space<hbm>>
    tpu.enqueue_indirect_dma source(%dma_start3A_4 : memref<8192x128xf32, #tpu.memory_space<hbm>>) target(%arg6 : memref<256x128xf32, #tpu.memory_space<vmem>>) offsets(%arg5 : memref<256xi32, #tpu.memory_space<vmem>>) semaphore(%arg7 : memref<!tpu.dma_semaphore, #tpu.memory_space<semaphore_mem>>)
    %dma_wait3A = arith.constant 0 : i32
    %dma_wait3A_5 = arith.constant 0 : i32
    %dma_wait3A_6 = tpu.memref_slice %arg2[%dma_wait3A, %dma_wait3A_5] : memref<8192x128xf32, #tpu.memory_space<hbm>> -> memref<8192x128xf32, #tpu.memory_space<hbm>>
    tpu.wait_indirect_dma semaphore(%arg7 : memref<!tpu.dma_semaphore, #tpu.memory_space<semaphore_mem>>) src(%dma_wait3A_6 : memref<8192x128xf32, #tpu.memory_space<hbm>>) dst(%arg6 : memref<256x128xf32, #tpu.memory_space<vmem>>)
    "tpu.region"() ({
      %run_scoped3A = tpu.sem_alloc : memref<!tpu.dma_semaphore, #tpu.memory_space<semaphore_mem>>
      %dma_start3A_7 = arith.constant 0 : i32
      %dma_start3A_8 = tpu.memref_slice %arg4[%mul3A_2, %dma_start3A_7] : memref<8192x128xf32, #tpu.memory_space<hbm>> -> memref<256x128xf32, #tpu.memory_space<hbm>>
      %dma_start3A_9 = arith.constant 0 : i32
      %dma_start3A_10 = tpu.memref_slice %arg4[%mul3A_2, %dma_start3A_9] : memref<8192x128xf32, #tpu.memory_space<hbm>> -> memref<256x128xf32, #tpu.memory_space<hbm>>
      tpu.enqueue_dma source(%arg6 : memref<256x128xf32, #tpu.memory_space<vmem>>) target(%dma_start3A_10 : memref<256x128xf32, #tpu.memory_space<hbm>>) target_semaphore(%run_scoped3A : memref<!tpu.dma_semaphore, #tpu.memory_space<semaphore_mem>>)
      %dma_wait3A_11 = arith.constant 0 : i32
      %dma_wait3A_12 = tpu.memref_slice %arg4[%mul3A_2, %dma_wait3A_11] : memref<8192x128xf32, #tpu.memory_space<hbm>> -> memref<256x128xf32, #tpu.memory_space<hbm>>
      %dma_wait3A_13 = arith.constant 0 : i32
      %dma_wait3A_14 = tpu.memref_slice %arg4[%mul3A_2, %dma_wait3A_13] : memref<8192x128xf32, #tpu.memory_space<hbm>> -> memref<256x128xf32, #tpu.memory_space<hbm>>
      tpu.wait_dma2 semaphore(%run_scoped3A : memref<!tpu.dma_semaphore, #tpu.memory_space<semaphore_mem>>) src(%arg6 : memref<256x128xf32, #tpu.memory_space<vmem>>) dst(%dma_wait3A_14 : memref<256x128xf32, #tpu.memory_space<hbm>>)
      tpu.yield
    }) : () -> ()
    return
  }
}

module attributes {stable_mosaic.version = 14 : i64} {
  func.func @_dist_body(%arg0: i32, %arg1: memref<256x64xf32, #tpu.memory_space<vmem>>, %arg2: memref<8192x64xf32, #tpu.memory_space<vmem>>, %arg3: memref<256x1xf32, #tpu.memory_space<vmem>>, %arg4: memref<1x8192xf32, #tpu.memory_space<vmem>>, %arg5: memref<256x1xi32, #tpu.memory_space<vmem>>, %arg6: memref<1x1xf32, #tpu.memory_space<vmem>>, %arg7: memref<256x1xf32, #tpu.memory_space<vmem>>, %arg8: memref<256x1xi32, #tpu.memory_space<vmem>>) attributes {dimension_semantics = [#tpu.dimension_semantics<arbitrary>], iteration_bounds = array<i64: 32>, scalar_prefetch = 0 : i64, scratch_operands = 2 : i64, tpu.core_type = #tpu.core_type<tc>, window_params = [{transform_indices = @transform_0, window_bounds = array<i64: 256, 64>}, {pipeline_mode = #tpu.pipeline_mode<synchronous>, transform_indices = @transform_1, window_bounds = array<i64: 8192, 64>}, {transform_indices = @transform_2, window_bounds = array<i64: 256, 1>}, {pipeline_mode = #tpu.pipeline_mode<synchronous>, transform_indices = @transform_3, window_bounds = array<i64: 1, 8192>}, {transform_indices = @transform_4, window_bounds = array<i64: 256, 1>}, {pipeline_mode = #tpu.pipeline_mode<synchronous>, transform_indices = @transform_5, window_bounds = array<i64: 1, 1>}]} {
    %get3A = arith.constant 0 : index
    %get3A_0 = arith.constant 0 : index
    %get3A_1 = vector.load %arg1[%get3A, %get3A_0] : memref<256x64xf32, #tpu.memory_space<vmem>>, vector<256x64xf32>
    %get3A_2 = arith.constant 0 : index
    %get3A_3 = arith.constant 0 : index
    %get3A_4 = vector.load %arg2[%get3A_2, %get3A_3] : memref<8192x64xf32, #tpu.memory_space<vmem>>, vector<8192x64xf32>
    %get3A_5 = arith.constant 0 : index
    %get3A_6 = arith.constant 0 : index
    %get3A_7 = vector.load %arg3[%get3A_5, %get3A_6] : memref<256x1xf32, #tpu.memory_space<vmem>>, vector<256x1xf32>
    %get3A_8 = arith.constant 0 : index
    %get3A_9 = arith.constant 0 : index
    %get3A_10 = vector.load %arg4[%get3A_8, %get3A_9] : memref<1x8192xf32, #tpu.memory_space<vmem>>, vector<1x8192xf32>
    %dot_general3A = arith.constant dense<0.000000e+00> : vector<256x8192xf32>
    %dot_general3A_11 = tpu.matmul %get3A_1, %get3A_4, %dot_general3A {dimension_numbers = #tpu.dot_dimension_numbers<[1], [1], [0], [0], [0, 0, 1, 0], [], []>, transpose_lhs_hint = false} : vector<256x64xf32>, vector<8192x64xf32>, vector<256x8192xf32> -> vector<256x8192xf32>
    %add3A = vector.broadcast %get3A_7 : vector<256x1xf32> to vector<256x8192xf32>
    %add3A_12 = vector.broadcast %get3A_10 : vector<1x8192xf32> to vector<256x8192xf32>
    %add3A_13 = arith.addf %add3A, %add3A_12 : vector<256x8192xf32>
    %sub3A = arith.subf %add3A_13, %dot_general3A_11 : vector<256x8192xf32>
    %iota3A = tpu.iota {dimensions = array<i32: 1>} : vector<256x2048xi32>
    %slice3A = vector.extract_strided_slice %sub3A {offsets = [0, 0], sizes = [256, 2048], strides = [1, 1]} : vector<256x8192xf32> to vector<256x2048xf32>
    %reduce_min3A = arith.constant dense<0x7F800000> : vector<256xf32>
    %reduce_min3A_14 = vector.multi_reduction <minimumf>, %slice3A, %reduce_min3A [1] : vector<256x2048xf32> to vector<256xf32>
    %broadcast_in_dim3A = vector.shape_cast %reduce_min3A_14 : vector<256xf32> to vector<256x1xf32>
    %max3A = arith.constant 0.000000e+00 : f32
    %max3A_15 = vector.broadcast %max3A : f32 to vector<256x1xf32>
    %max3A_16 = arith.maximumf %broadcast_in_dim3A, %max3A_15 : vector<256x1xf32>
    %mul3A = arith.constant 1.00000763 : f32
    %mul3A_17 = vector.broadcast %mul3A : f32 to vector<256x1xf32>
    %mul3A_18 = arith.mulf %max3A_16, %mul3A_17 : vector<256x1xf32>
    %add3A_19 = arith.constant 9.99999991E-38 : f32
    %add3A_20 = vector.broadcast %add3A_19 : f32 to vector<256x1xf32>
    %add3A_21 = arith.addf %mul3A_18, %add3A_20 : vector<256x1xf32>
    %le3A = vector.broadcast %add3A_21 : vector<256x1xf32> to vector<256x2048xf32>
    %le3A_22 = arith.cmpf ole, %slice3A, %le3A : vector<256x2048xf32>
    %jit3A = arith.constant 2048 : i32
    %broadcast_in_dim3A_23 = vector.broadcast %jit3A : i32 to vector<256x2048xi32>
    %select_n3A = arith.select %le3A_22, %iota3A, %broadcast_in_dim3A_23 : vector<256x2048xi1>, vector<256x2048xi32>
    %reduce_min3A_24 = arith.constant dense<2147483647> : vector<256xi32>
    %reduce_min3A_25 = vector.multi_reduction <minsi>, %select_n3A, %reduce_min3A_24 [1] : vector<256x2048xi32> to vector<256xi32>
    %broadcast_in_dim3A_26 = vector.shape_cast %reduce_min3A_25 : vector<256xi32> to vector<256x1xi32>
    %reduce_sum3A = arith.constant dense<0> : vector<256xi32>
    %reduce_sum3A_27 = vector.multi_reduction <add>, %select_n3A, %reduce_sum3A [1] : vector<256x2048xi32> to vector<256xi32>
    %broadcast_in_dim3A_28 = vector.shape_cast %reduce_sum3A_27 : vector<256xi32> to vector<256x1xi32>
    %sub3A_29 = arith.subi %broadcast_in_dim3A_28, %broadcast_in_dim3A_26 : vector<256x1xi32>
    %eq3A = arith.constant 4192256 : i32
    %eq3A_30 = vector.broadcast %eq3A : i32 to vector<256x1xi32>
    %eq3A_31 = arith.cmpi eq, %sub3A_29, %eq3A_30 : vector<256x1xi32>
    %sqrt3A = math.sqrt %max3A_16 : vector<256x1xf32>
    %swap3A = arith.constant 0 : index
    %swap3A_32 = arith.constant 0 : index
    %swap3A_33 = vector.load %arg7[%swap3A, %swap3A_32] : memref<256x1xf32, #tpu.memory_space<vmem>>, vector<256x1xf32>
    tpu.vector_store %arg7[%swap3A, %swap3A_32], %sqrt3A {strides = array<i32>} : memref<256x1xf32, #tpu.memory_space<vmem>>, vector<256x1xf32>,
    %add3A_34 = arith.constant 0 : i32
    %add3A_35 = vector.broadcast %add3A_34 : i32 to vector<256x1xi32>
    %add3A_36 = arith.addi %broadcast_in_dim3A_26, %add3A_35 : vector<256x1xi32>
    %swap3A_37 = arith.constant 0 : index
    %swap3A_38 = arith.constant 0 : index
    %swap3A_39 = vector.load %arg8[%swap3A_37, %swap3A_38] : memref<256x1xi32, #tpu.memory_space<vmem>>, vector<256x1xi32>
    tpu.vector_store %arg8[%swap3A_37, %swap3A_38], %add3A_36 {strides = array<i32>} : memref<256x1xi32, #tpu.memory_space<vmem>>, vector<256x1xi32>,
    %reduce_and3A = arith.constant 1.000000e+00 : f32
    %reduce_and3A_40 = arith.constant 0.000000e+00 : f32
    %reduce_and3A_41 = vector.broadcast %reduce_and3A : f32 to vector<256x1xf32>
    %reduce_and3A_42 = vector.broadcast %reduce_and3A_40 : f32 to vector<256x1xf32>
    %reduce_and3A_43 = arith.select %eq3A_31, %reduce_and3A_41, %reduce_and3A_42 : vector<256x1xi1>, vector<256x1xf32>
    %reduce_and3A_44 = vector.shape_cast %reduce_and3A_43 : vector<256x1xf32> to vector<1x256x1xf32>
    %reduce_and3A_45 = arith.constant dense<0x7F800000> : vector<1xf32>
    %reduce_and3A_46 = vector.multi_reduction <minimumf>, %reduce_and3A_44, %reduce_and3A_45 [1, 2] : vector<1x256x1xf32> to vector<1xf32>
    %reduce_and3A_47 = vector.shape_cast %reduce_and3A_46 : vector<1xf32> to vector<1x1x1xf32>
    %reduce_and3A_48 = vector.extract %reduce_and3A_47[0, 0, 0] : f32 from vector<1x1x1xf32>
    %reduce_and3A_49 = arith.constant 0.000000e+00 : f32
    %reduce_and3A_50 = arith.cmpf ogt, %reduce_and3A_48, %reduce_and3A_49 : f32
    %not3A = arith.constant true
    %not3A_51 = arith.xori %reduce_and3A_50, %not3A : i1
    %convert_element_type3A = arith.extui %not3A_51 : i1 to i32
    %cond3A = arith.constant 0 : i32
    %cond3A_52 = arith.cmpi ne, %convert_element_type3A, %cond3A : i32
    scf.if %cond3A_52 {
      %max3A_316 = arith.constant 0.000000e+00 : f32
      %max3A_317 = vector.broadcast %max3A_316 : f32 to vector<256x2048xf32>
      %max3A_318 = arith.maximumf %slice3A, %max3A_317 : vector<256x2048xf32>
      %sqrt3A_319 = math.sqrt %max3A_318 : vector<256x2048xf32>
      %reduce_min3A_320 = arith.constant dense<0x7F800000> : vector<256xf32>
      %reduce_min3A_321 = vector.multi_reduction <minimumf>, %sqrt3A_319, %reduce_min3A_320 [1] : vector<256x2048xf32> to vector<256xf32>
      %broadcast_in_dim3A_322 = vector.shape_cast %reduce_min3A_321 : vector<256xf32> to vector<256x1xf32>
      %eq3A_323 = vector.broadcast %broadcast_in_dim3A_322 : vector<256x1xf32> to vector<256x2048xf32>
      %eq3A_324 = arith.cmpf oeq, %sqrt3A_319, %eq3A_323 : vector<256x2048xf32>
      %jit3A_325 = arith.constant 2048 : i32
      %broadcast_in_dim3A_326 = vector.broadcast %jit3A_325 : i32 to vector<256x2048xi32>
      %select_n3A_327 = arith.select %eq3A_324, %iota3A, %broadcast_in_dim3A_326 : vector<256x2048xi1>, vector<256x2048xi32>
      %reduce_min3A_328 = arith.constant dense<2147483647> : vector<256xi32>
      %reduce_min3A_329 = vector.multi_reduction <minsi>, %select_n3A_327, %reduce_min3A_328 [1] : vector<256x2048xi32> to vector<256xi32>
      %broadcast_in_dim3A_330 = vector.shape_cast %reduce_min3A_329 : vector<256xi32> to vector<256x1xi32>
      %swap3A_331 = arith.constant 0 : index
      %swap3A_332 = arith.constant 0 : index
      %swap3A_333 = vector.load %arg7[%swap3A_331, %swap3A_332] : memref<256x1xf32, #tpu.memory_space<vmem>>, vector<256x1xf32>
      tpu.vector_store %arg7[%swap3A_331, %swap3A_332], %broadcast_in_dim3A_322 {strides = array<i32>} : memref<256x1xf32, #tpu.memory_space<vmem>>, vector<256x1xf32>,
      %add3A_334 = arith.constant 0 : i32
      %add3A_335 = vector.broadcast %add3A_334 : i32 to vector<256x1xi32>
      %add3A_336 = arith.addi %broadcast_in_dim3A_330, %add3A_335 : vector<256x1xi32>
      %swap3A_337 = arith.constant 0 : index
      %swap3A_338 = arith.constant 0 : index
      %swap3A_339 = vector.load %arg8[%swap3A_337, %swap3A_338] : memref<256x1xi32, #tpu.memory_space<vmem>>, vector<256x1xi32>
      tpu.vector_store %arg8[%swap3A_337, %swap3A_338], %add3A_336 {strides = array<i32>} : memref<256x1xi32, #tpu.memory_space<vmem>>, vector<256x1xi32>,
    } else {
    }
    %get3A_53 = arith.constant 0 : index
    %get3A_54 = arith.constant 0 : index
    %get3A_55 = vector.load %arg7[%get3A_53, %get3A_54] : memref<256x1xf32, #tpu.memory_space<vmem>>, vector<256x1xf32>
    %get3A_56 = arith.constant 0 : index
    %get3A_57 = arith.constant 0 : index
    %get3A_58 = vector.load %arg8[%get3A_56, %get3A_57] : memref<256x1xi32, #tpu.memory_space<vmem>>, vector<256x1xi32>
    %bitcast_convert_type3A = tpu.bitcast %get3A_55 : vector<256x1xf32> -> vector<256x1xi32>
    %add3A_59 = arith.constant 32767 : i32
    %add3A_60 = vector.broadcast %add3A_59 : i32 to vector<256x1xi32>
    %add3A_61 = arith.addi %bitcast_convert_type3A, %add3A_60 : vector<256x1xi32>
    %shift_right_arithmetic3A = arith.constant 16 : i32
    %shift_right_arithmetic3A_62 = vector.broadcast %shift_right_arithmetic3A : i32 to vector<256x1xi32>
    %shift_right_arithmetic3A_63 = arith.shrsi %bitcast_convert_type3A, %shift_right_arithmetic3A_62 : vector<256x1xi32>
    %and3A = arith.constant 1 : i32
    %and3A_64 = vector.broadcast %and3A : i32 to vector<256x1xi32>
    %and3A_65 = arith.andi %shift_right_arithmetic3A_63, %and3A_64 : vector<256x1xi32>
    %add3A_66 = arith.addi %add3A_61, %and3A_65 : vector<256x1xi32>
    %and3A_67 = arith.constant -65536 : i32
    %and3A_68 = vector.broadcast %and3A_67 : i32 to vector<256x1xi32>
    %and3A_69 = arith.andi %add3A_66, %and3A_68 : vector<256x1xi32>
    %bitcast_convert_type3A_70 = tpu.bitcast %and3A_69 : vector<256x1xi32> -> vector<256x1xf32>
    %slice3A_71 = vector.extract_strided_slice %sub3A {offsets = [0, 2048], sizes = [256, 2048], strides = [1, 1]} : vector<256x8192xf32> to vector<256x2048xf32>
    %reduce_min3A_72 = arith.constant dense<0x7F800000> : vector<256xf32>
    %reduce_min3A_73 = vector.multi_reduction <minimumf>, %slice3A_71, %reduce_min3A_72 [1] : vector<256x2048xf32> to vector<256xf32>
    %broadcast_in_dim3A_74 = vector.shape_cast %reduce_min3A_73 : vector<256xf32> to vector<256x1xf32>
    %max3A_75 = arith.constant 0.000000e+00 : f32
    %max3A_76 = vector.broadcast %max3A_75 : f32 to vector<256x1xf32>
    %max3A_77 = arith.maximumf %broadcast_in_dim3A_74, %max3A_76 : vector<256x1xf32>
    %mul3A_78 = arith.constant 1.00000763 : f32
    %mul3A_79 = vector.broadcast %mul3A_78 : f32 to vector<256x1xf32>
    %mul3A_80 = arith.mulf %max3A_77, %mul3A_79 : vector<256x1xf32>
    %add3A_81 = arith.constant 9.99999991E-38 : f32
    %add3A_82 = vector.broadcast %add3A_81 : f32 to vector<256x1xf32>
    %add3A_83 = arith.addf %mul3A_80, %add3A_82 : vector<256x1xf32>
    %le3A_84 = vector.broadcast %add3A_83 : vector<256x1xf32> to vector<256x2048xf32>
    %le3A_85 = arith.cmpf ole, %slice3A_71, %le3A_84 : vector<256x2048xf32>
    %jit3A_86 = arith.constant 2048 : i32
    %broadcast_in_dim3A_87 = vector.broadcast %jit3A_86 : i32 to vector<256x2048xi32>
    %select_n3A_88 = arith.select %le3A_85, %iota3A, %broadcast_in_dim3A_87 : vector<256x2048xi1>, vector<256x2048xi32>
    %reduce_min3A_89 = arith.constant dense<2147483647> : vector<256xi32>
    %reduce_min3A_90 = vector.multi_reduction <minsi>, %select_n3A_88, %reduce_min3A_89 [1] : vector<256x2048xi32> to vector<256xi32>
    %broadcast_in_dim3A_91 = vector.shape_cast %reduce_min3A_90 : vector<256xi32> to vector<256x1xi32>
    %reduce_sum3A_92 = arith.constant dense<0> : vector<256xi32>
    %reduce_sum3A_93 = vector.multi_reduction <add>, %select_n3A_88, %reduce_sum3A_92 [1] : vector<256x2048xi32> to vector<256xi32>
    %broadcast_in_dim3A_94 = vector.shape_cast %reduce_sum3A_93 : vector<256xi32> to vector<256x1xi32>
    %sub3A_95 = arith.subi %broadcast_in_dim3A_94, %broadcast_in_dim3A_91 : vector<256x1xi32>
    %eq3A_96 = arith.constant 4192256 : i32
    %eq3A_97 = vector.broadcast %eq3A_96 : i32 to vector<256x1xi32>
    %eq3A_98 = arith.cmpi eq, %sub3A_95, %eq3A_97 : vector<256x1xi32>
    %sqrt3A_99 = math.sqrt %max3A_77 : vector<256x1xf32>
    %swap3A_100 = arith.constant 0 : index
    %swap3A_101 = arith.constant 0 : index
    %swap3A_102 = vector.load %arg7[%swap3A_100, %swap3A_101] : memref<256x1xf32, #tpu.memory_space<vmem>>, vector<256x1xf32>
    tpu.vector_store %arg7[%swap3A_100, %swap3A_101], %sqrt3A_99 {strides = array<i32>} : memref<256x1xf32, #tpu.memory_space<vmem>>, vector<256x1xf32>,
    %add3A_103 = arith.constant 2048 : i32
    %add3A_104 = vector.broadcast %add3A_103 : i32 to vector<256x1xi32>
    %add3A_105 = arith.addi %broadcast_in_dim3A_91, %add3A_104 : vector<256x1xi32>
    %swap3A_106 = arith.constant 0 : index
    %swap3A_107 = arith.constant 0 : index
    %swap3A_108 = vector.load %arg8[%swap3A_106, %swap3A_107] : memref<256x1xi32, #tpu.memory_space<vmem>>, vector<256x1xi32>
    tpu.vector_store %arg8[%swap3A_106, %swap3A_107], %add3A_105 {strides = array<i32>} : memref<256x1xi32, #tpu.memory_space<vmem>>, vector<256x1xi32>,
    %reduce_and3A_109 = arith.constant 1.000000e+00 : f32
    %reduce_and3A_110 = arith.constant 0.000000e+00 : f32
    %reduce_and3A_111 = vector.broadcast %reduce_and3A_109 : f32 to vector<256x1xf32>
    %reduce_and3A_112 = vector.broadcast %reduce_and3A_110 : f32 to vector<256x1xf32>
    %reduce_and3A_113 = arith.select %eq3A_98, %reduce_and3A_111, %reduce_and3A_112 : vector<256x1xi1>, vector<256x1xf32>
    %reduce_and3A_114 = vector.shape_cast %reduce_and3A_113 : vector<256x1xf32> to vector<1x256x1xf32>
    %reduce_and3A_115 = arith.constant dense<0x7F800000> : vector<1xf32>
    %reduce_and3A_116 = vector.multi_reduction <minimumf>, %reduce_and3A_114, %reduce_and3A_115 [1, 2] : vector<1x256x1xf32> to vector<1xf32>
    %reduce_and3A_117 = vector.shape_cast %reduce_and3A_116 : vector<1xf32> to vector<1x1x1xf32>
    %reduce_and3A_118 = vector.extract %reduce_and3A_117[0, 0, 0] : f32 from vector<1x1x1xf32>
    %reduce_and3A_119 = arith.constant 0.000000e+00 : f32
    %reduce_and3A_120 = arith.cmpf ogt, %reduce_and3A_118, %reduce_and3A_119 : f32
    %not3A_121 = arith.constant true
    %not3A_122 = arith.xori %reduce_and3A_120, %not3A_121 : i1
    %convert_element_type3A_123 = arith.extui %not3A_122 : i1 to i32
    %cond3A_124 = arith.constant 0 : i32
    %cond3A_125 = arith.cmpi ne, %convert_element_type3A_123, %cond3A_124 : i32
    scf.if %cond3A_125 {
      %max3A_316 = arith.constant 0.000000e+00 : f32
      %max3A_317 = vector.broadcast %max3A_316 : f32 to vector<256x2048xf32>
      %max3A_318 = arith.maximumf %slice3A_71, %max3A_317 : vector<256x2048xf32>
      %sqrt3A_319 = math.sqrt %max3A_318 : vector<256x2048xf32>
      %reduce_min3A_320 = arith.constant dense<0x7F800000> : vector<256xf32>
      %reduce_min3A_321 = vector.multi_reduction <minimumf>, %sqrt3A_319, %reduce_min3A_320 [1] : vector<256x2048xf32> to vector<256xf32>
      %broadcast_in_dim3A_322 = vector.shape_cast %reduce_min3A_321 : vector<256xf32> to vector<256x1xf32>
      %eq3A_323 = vector.broadcast %broadcast_in_dim3A_322 : vector<256x1xf32> to vector<256x2048xf32>
      %eq3A_324 = arith.cmpf oeq, %sqrt3A_319, %eq3A_323 : vector<256x2048xf32>
      %jit3A_325 = arith.constant 2048 : i32
      %broadcast_in_dim3A_326 = vector.broadcast %jit3A_325 : i32 to vector<256x2048xi32>
      %select_n3A_327 = arith.select %eq3A_324, %iota3A, %broadcast_in_dim3A_326 : vector<256x2048xi1>, vector<256x2048xi32>
      %reduce_min3A_328 = arith.constant dense<2147483647> : vector<256xi32>
      %reduce_min3A_329 = vector.multi_reduction <minsi>, %select_n3A_327, %reduce_min3A_328 [1] : vector<256x2048xi32> to vector<256xi32>
      %broadcast_in_dim3A_330 = vector.shape_cast %reduce_min3A_329 : vector<256xi32> to vector<256x1xi32>
      %swap3A_331 = arith.constant 0 : index
      %swap3A_332 = arith.constant 0 : index
      %swap3A_333 = vector.load %arg7[%swap3A_331, %swap3A_332] : memref<256x1xf32, #tpu.memory_space<vmem>>, vector<256x1xf32>
      tpu.vector_store %arg7[%swap3A_331, %swap3A_332], %broadcast_in_dim3A_322 {strides = array<i32>} : memref<256x1xf32, #tpu.memory_space<vmem>>, vector<256x1xf32>,
      %add3A_334 = arith.constant 2048 : i32
      %add3A_335 = vector.broadcast %add3A_334 : i32 to vector<256x1xi32>
      %add3A_336 = arith.addi %broadcast_in_dim3A_330, %add3A_335 : vector<256x1xi32>
      %swap3A_337 = arith.constant 0 : index
      %swap3A_338 = arith.constant 0 : index
      %swap3A_339 = vector.load %arg8[%swap3A_337, %swap3A_338] : memref<256x1xi32, #tpu.memory_space<vmem>>, vector<256x1xi32>
      tpu.vector_store %arg8[%swap3A_337, %swap3A_338], %add3A_336 {strides = array<i32>} : memref<256x1xi32, #tpu.memory_space<vmem>>, vector<256x1xi32>,
    } else {
    }
    %get3A_126 = arith.constant 0 : index
    %get3A_127 = arith.constant 0 : index
    %get3A_128 = vector.load %arg7[%get3A_126, %get3A_127] : memref<256x1xf32, #tpu.memory_space<vmem>>, vector<256x1xf32>
    %get3A_129 = arith.constant 0 : index
    %get3A_130 = arith.constant 0 : index
    %get3A_131 = vector.load %arg8[%get3A_129, %get3A_130] : memref<256x1xi32, #tpu.memory_space<vmem>>, vector<256x1xi32>
    %lt3A = arith.cmpf olt, %get3A_128, %bitcast_convert_type3A_70 : vector<256x1xf32>
    %select_n3A_132 = arith.select %lt3A, %get3A_131, %get3A_58 : vector<256x1xi1>, vector<256x1xi32>
    %select_n3A_133 = arith.select %lt3A, %get3A_128, %get3A_55 : vector<256x1xi1>, vector<256x1xf32>
    %select_n3A_134 = arith.select %lt3A, %get3A_128, %bitcast_convert_type3A_70 : vector<256x1xi1>, vector<256x1xf32>
    %bitcast_convert_type3A_135 = tpu.bitcast %select_n3A_134 : vector<256x1xf32> -> vector<256x1xi32>
    %add3A_136 = arith.constant 32767 : i32
    %add3A_137 = vector.broadcast %add3A_136 : i32 to vector<256x1xi32>
    %add3A_138 = arith.addi %bitcast_convert_type3A_135, %add3A_137 : vector<256x1xi32>
    %shift_right_arithmetic3A_139 = arith.constant 16 : i32
    %shift_right_arithmetic3A_140 = vector.broadcast %shift_right_arithmetic3A_139 : i32 to vector<256x1xi32>
    %shift_right_arithmetic3A_141 = arith.shrsi %bitcast_convert_type3A_135, %shift_right_arithmetic3A_140 : vector<256x1xi32>
    %and3A_142 = arith.constant 1 : i32
    %and3A_143 = vector.broadcast %and3A_142 : i32 to vector<256x1xi32>
    %and3A_144 = arith.andi %shift_right_arithmetic3A_141, %and3A_143 : vector<256x1xi32>
    %add3A_145 = arith.addi %add3A_138, %and3A_144 : vector<256x1xi32>
    %and3A_146 = arith.constant -65536 : i32
    %and3A_147 = vector.broadcast %and3A_146 : i32 to vector<256x1xi32>
    %and3A_148 = arith.andi %add3A_145, %and3A_147 : vector<256x1xi32>
    %bitcast_convert_type3A_149 = tpu.bitcast %and3A_148 : vector<256x1xi32> -> vector<256x1xf32>
    %slice3A_150 = vector.extract_strided_slice %sub3A {offsets = [0, 4096], sizes = [256, 2048], strides = [1, 1]} : vector<256x8192xf32> to vector<256x2048xf32>
    %reduce_min3A_151 = arith.constant dense<0x7F800000> : vector<256xf32>
    %reduce_min3A_152 = vector.multi_reduction <minimumf>, %slice3A_150, %reduce_min3A_151 [1] : vector<256x2048xf32> to vector<256xf32>
    %broadcast_in_dim3A_153 = vector.shape_cast %reduce_min3A_152 : vector<256xf32> to vector<256x1xf32>
    %max3A_154 = arith.constant 0.000000e+00 : f32
    %max3A_155 = vector.broadcast %max3A_154 : f32 to vector<256x1xf32>
    %max3A_156 = arith.maximumf %broadcast_in_dim3A_153, %max3A_155 : vector<256x1xf32>
    %mul3A_157 = arith.constant 1.00000763 : f32
    %mul3A_158 = vector.broadcast %mul3A_157 : f32 to vector<256x1xf32>
    %mul3A_159 = arith.mulf %max3A_156, %mul3A_158 : vector<256x1xf32>
    %add3A_160 = arith.constant 9.99999991E-38 : f32
    %add3A_161 = vector.broadcast %add3A_160 : f32 to vector<256x1xf32>
    %add3A_162 = arith.addf %mul3A_159, %add3A_161 : vector<256x1xf32>
    %le3A_163 = vector.broadcast %add3A_162 : vector<256x1xf32> to vector<256x2048xf32>
    %le3A_164 = arith.cmpf ole, %slice3A_150, %le3A_163 : vector<256x2048xf32>
    %jit3A_165 = arith.constant 2048 : i32
    %broadcast_in_dim3A_166 = vector.broadcast %jit3A_165 : i32 to vector<256x2048xi32>
    %select_n3A_167 = arith.select %le3A_164, %iota3A, %broadcast_in_dim3A_166 : vector<256x2048xi1>, vector<256x2048xi32>
    %reduce_min3A_168 = arith.constant dense<2147483647> : vector<256xi32>
    %reduce_min3A_169 = vector.multi_reduction <minsi>, %select_n3A_167, %reduce_min3A_168 [1] : vector<256x2048xi32> to vector<256xi32>
    %broadcast_in_dim3A_170 = vector.shape_cast %reduce_min3A_169 : vector<256xi32> to vector<256x1xi32>
    %reduce_sum3A_171 = arith.constant dense<0> : vector<256xi32>
    %reduce_sum3A_172 = vector.multi_reduction <add>, %select_n3A_167, %reduce_sum3A_171 [1] : vector<256x2048xi32> to vector<256xi32>
    %broadcast_in_dim3A_173 = vector.shape_cast %reduce_sum3A_172 : vector<256xi32> to vector<256x1xi32>
    %sub3A_174 = arith.subi %broadcast_in_dim3A_173, %broadcast_in_dim3A_170 : vector<256x1xi32>
    %eq3A_175 = arith.constant 4192256 : i32
    %eq3A_176 = vector.broadcast %eq3A_175 : i32 to vector<256x1xi32>
    %eq3A_177 = arith.cmpi eq, %sub3A_174, %eq3A_176 : vector<256x1xi32>
    %sqrt3A_178 = math.sqrt %max3A_156 : vector<256x1xf32>
    %swap3A_179 = arith.constant 0 : index
    %swap3A_180 = arith.constant 0 : index
    %swap3A_181 = vector.load %arg7[%swap3A_179, %swap3A_180] : memref<256x1xf32, #tpu.memory_space<vmem>>, vector<256x1xf32>
    tpu.vector_store %arg7[%swap3A_179, %swap3A_180], %sqrt3A_178 {strides = array<i32>} : memref<256x1xf32, #tpu.memory_space<vmem>>, vector<256x1xf32>,
    %add3A_182 = arith.constant 4096 : i32
    %add3A_183 = vector.broadcast %add3A_182 : i32 to vector<256x1xi32>
    %add3A_184 = arith.addi %broadcast_in_dim3A_170, %add3A_183 : vector<256x1xi32>
    %swap3A_185 = arith.constant 0 : index
    %swap3A_186 = arith.constant 0 : index
    %swap3A_187 = vector.load %arg8[%swap3A_185, %swap3A_186] : memref<256x1xi32, #tpu.memory_space<vmem>>, vector<256x1xi32>
    tpu.vector_store %arg8[%swap3A_185, %swap3A_186], %add3A_184 {strides = array<i32>} : memref<256x1xi32, #tpu.memory_space<vmem>>, vector<256x1xi32>,
    %reduce_and3A_188 = arith.constant 1.000000e+00 : f32
    %reduce_and3A_189 = arith.constant 0.000000e+00 : f32
    %reduce_and3A_190 = vector.broadcast %reduce_and3A_188 : f32 to vector<256x1xf32>
    %reduce_and3A_191 = vector.broadcast %reduce_and3A_189 : f32 to vector<256x1xf32>
    %reduce_and3A_192 = arith.select %eq3A_177, %reduce_and3A_190, %reduce_and3A_191 : vector<256x1xi1>, vector<256x1xf32>
    %reduce_and3A_193 = vector.shape_cast %reduce_and3A_192 : vector<256x1xf32> to vector<1x256x1xf32>
    %reduce_and3A_194 = arith.constant dense<0x7F800000> : vector<1xf32>
    %reduce_and3A_195 = vector.multi_reduction <minimumf>, %reduce_and3A_193, %reduce_and3A_194 [1, 2] : vector<1x256x1xf32> to vector<1xf32>
    %reduce_and3A_196 = vector.shape_cast %reduce_and3A_195 : vector<1xf32> to vector<1x1x1xf32>
    %reduce_and3A_197 = vector.extract %reduce_and3A_196[0, 0, 0] : f32 from vector<1x1x1xf32>
    %reduce_and3A_198 = arith.constant 0.000000e+00 : f32
    %reduce_and3A_199 = arith.cmpf ogt, %reduce_and3A_197, %reduce_and3A_198 : f32
    %not3A_200 = arith.constant true
    %not3A_201 = arith.xori %reduce_and3A_199, %not3A_200 : i1
    %convert_element_type3A_202 = arith.extui %not3A_201 : i1 to i32
    %cond3A_203 = arith.constant 0 : i32
    %cond3A_204 = arith.cmpi ne, %convert_element_type3A_202, %cond3A_203 : i32
    scf.if %cond3A_204 {
      %max3A_316 = arith.constant 0.000000e+00 : f32
      %max3A_317 = vector.broadcast %max3A_316 : f32 to vector<256x2048xf32>
      %max3A_318 = arith.maximumf %slice3A_150, %max3A_317 : vector<256x2048xf32>
      %sqrt3A_319 = math.sqrt %max3A_318 : vector<256x2048xf32>
      %reduce_min3A_320 = arith.constant dense<0x7F800000> : vector<256xf32>
      %reduce_min3A_321 = vector.multi_reduction <minimumf>, %sqrt3A_319, %reduce_min3A_320 [1] : vector<256x2048xf32> to vector<256xf32>
      %broadcast_in_dim3A_322 = vector.shape_cast %reduce_min3A_321 : vector<256xf32> to vector<256x1xf32>
      %eq3A_323 = vector.broadcast %broadcast_in_dim3A_322 : vector<256x1xf32> to vector<256x2048xf32>
      %eq3A_324 = arith.cmpf oeq, %sqrt3A_319, %eq3A_323 : vector<256x2048xf32>
      %jit3A_325 = arith.constant 2048 : i32
      %broadcast_in_dim3A_326 = vector.broadcast %jit3A_325 : i32 to vector<256x2048xi32>
      %select_n3A_327 = arith.select %eq3A_324, %iota3A, %broadcast_in_dim3A_326 : vector<256x2048xi1>, vector<256x2048xi32>
      %reduce_min3A_328 = arith.constant dense<2147483647> : vector<256xi32>
      %reduce_min3A_329 = vector.multi_reduction <minsi>, %select_n3A_327, %reduce_min3A_328 [1] : vector<256x2048xi32> to vector<256xi32>
      %broadcast_in_dim3A_330 = vector.shape_cast %reduce_min3A_329 : vector<256xi32> to vector<256x1xi32>
      %swap3A_331 = arith.constant 0 : index
      %swap3A_332 = arith.constant 0 : index
      %swap3A_333 = vector.load %arg7[%swap3A_331, %swap3A_332] : memref<256x1xf32, #tpu.memory_space<vmem>>, vector<256x1xf32>
      tpu.vector_store %arg7[%swap3A_331, %swap3A_332], %broadcast_in_dim3A_322 {strides = array<i32>} : memref<256x1xf32, #tpu.memory_space<vmem>>, vector<256x1xf32>,
      %add3A_334 = arith.constant 4096 : i32
      %add3A_335 = vector.broadcast %add3A_334 : i32 to vector<256x1xi32>
      %add3A_336 = arith.addi %broadcast_in_dim3A_330, %add3A_335 : vector<256x1xi32>
      %swap3A_337 = arith.constant 0 : index
      %swap3A_338 = arith.constant 0 : index
      %swap3A_339 = vector.load %arg8[%swap3A_337, %swap3A_338] : memref<256x1xi32, #tpu.memory_space<vmem>>, vector<256x1xi32>
      tpu.vector_store %arg8[%swap3A_337, %swap3A_338], %add3A_336 {strides = array<i32>} : memref<256x1xi32, #tpu.memory_space<vmem>>, vector<256x1xi32>,
    } else {
    }
    %get3A_205 = arith.constant 0 : index
    %get3A_206 = arith.constant 0 : index
    %get3A_207 = vector.load %arg7[%get3A_205, %get3A_206] : memref<256x1xf32, #tpu.memory_space<vmem>>, vector<256x1xf32>
    %get3A_208 = arith.constant 0 : index
    %get3A_209 = arith.constant 0 : index
    %get3A_210 = vector.load %arg8[%get3A_208, %get3A_209] : memref<256x1xi32, #tpu.memory_space<vmem>>, vector<256x1xi32>
    %lt3A_211 = arith.cmpf olt, %get3A_207, %bitcast_convert_type3A_149 : vector<256x1xf32>
    %select_n3A_212 = arith.select %lt3A_211, %get3A_210, %select_n3A_132 : vector<256x1xi1>, vector<256x1xi32>
    %select_n3A_213 = arith.select %lt3A_211, %get3A_207, %select_n3A_133 : vector<256x1xi1>, vector<256x1xf32>
    %select_n3A_214 = arith.select %lt3A_211, %get3A_207, %bitcast_convert_type3A_149 : vector<256x1xi1>, vector<256x1xf32>
    %bitcast_convert_type3A_215 = tpu.bitcast %select_n3A_214 : vector<256x1xf32> -> vector<256x1xi32>
    %add3A_216 = arith.constant 32767 : i32
    %add3A_217 = vector.broadcast %add3A_216 : i32 to vector<256x1xi32>
    %add3A_218 = arith.addi %bitcast_convert_type3A_215, %add3A_217 : vector<256x1xi32>
    %shift_right_arithmetic3A_219 = arith.constant 16 : i32
    %shift_right_arithmetic3A_220 = vector.broadcast %shift_right_arithmetic3A_219 : i32 to vector<256x1xi32>
    %shift_right_arithmetic3A_221 = arith.shrsi %bitcast_convert_type3A_215, %shift_right_arithmetic3A_220 : vector<256x1xi32>
    %and3A_222 = arith.constant 1 : i32
    %and3A_223 = vector.broadcast %and3A_222 : i32 to vector<256x1xi32>
    %and3A_224 = arith.andi %shift_right_arithmetic3A_221, %and3A_223 : vector<256x1xi32>
    %add3A_225 = arith.addi %add3A_218, %and3A_224 : vector<256x1xi32>
    %and3A_226 = arith.constant -65536 : i32
    %and3A_227 = vector.broadcast %and3A_226 : i32 to vector<256x1xi32>
    %and3A_228 = arith.andi %add3A_225, %and3A_227 : vector<256x1xi32>
    %bitcast_convert_type3A_229 = tpu.bitcast %and3A_228 : vector<256x1xi32> -> vector<256x1xf32>
    %slice3A_230 = vector.extract_strided_slice %sub3A {offsets = [0, 6144], sizes = [256, 2048], strides = [1, 1]} : vector<256x8192xf32> to vector<256x2048xf32>
    %reduce_min3A_231 = arith.constant dense<0x7F800000> : vector<256xf32>
    %reduce_min3A_232 = vector.multi_reduction <minimumf>, %slice3A_230, %reduce_min3A_231 [1] : vector<256x2048xf32> to vector<256xf32>
    %broadcast_in_dim3A_233 = vector.shape_cast %reduce_min3A_232 : vector<256xf32> to vector<256x1xf32>
    %max3A_234 = arith.constant 0.000000e+00 : f32
    %max3A_235 = vector.broadcast %max3A_234 : f32 to vector<256x1xf32>
    %max3A_236 = arith.maximumf %broadcast_in_dim3A_233, %max3A_235 : vector<256x1xf32>
    %mul3A_237 = arith.constant 1.00000763 : f32
    %mul3A_238 = vector.broadcast %mul3A_237 : f32 to vector<256x1xf32>
    %mul3A_239 = arith.mulf %max3A_236, %mul3A_238 : vector<256x1xf32>
    %add3A_240 = arith.constant 9.99999991E-38 : f32
    %add3A_241 = vector.broadcast %add3A_240 : f32 to vector<256x1xf32>
    %add3A_242 = arith.addf %mul3A_239, %add3A_241 : vector<256x1xf32>
    %le3A_243 = vector.broadcast %add3A_242 : vector<256x1xf32> to vector<256x2048xf32>
    %le3A_244 = arith.cmpf ole, %slice3A_230, %le3A_243 : vector<256x2048xf32>
    %jit3A_245 = arith.constant 2048 : i32
    %broadcast_in_dim3A_246 = vector.broadcast %jit3A_245 : i32 to vector<256x2048xi32>
    %select_n3A_247 = arith.select %le3A_244, %iota3A, %broadcast_in_dim3A_246 : vector<256x2048xi1>, vector<256x2048xi32>
    %reduce_min3A_248 = arith.constant dense<2147483647> : vector<256xi32>
    %reduce_min3A_249 = vector.multi_reduction <minsi>, %select_n3A_247, %reduce_min3A_248 [1] : vector<256x2048xi32> to vector<256xi32>
    %broadcast_in_dim3A_250 = vector.shape_cast %reduce_min3A_249 : vector<256xi32> to vector<256x1xi32>
    %reduce_sum3A_251 = arith.constant dense<0> : vector<256xi32>
    %reduce_sum3A_252 = vector.multi_reduction <add>, %select_n3A_247, %reduce_sum3A_251 [1] : vector<256x2048xi32> to vector<256xi32>
    %broadcast_in_dim3A_253 = vector.shape_cast %reduce_sum3A_252 : vector<256xi32> to vector<256x1xi32>
    %sub3A_254 = arith.subi %broadcast_in_dim3A_253, %broadcast_in_dim3A_250 : vector<256x1xi32>
    %eq3A_255 = arith.constant 4192256 : i32
    %eq3A_256 = vector.broadcast %eq3A_255 : i32 to vector<256x1xi32>
    %eq3A_257 = arith.cmpi eq, %sub3A_254, %eq3A_256 : vector<256x1xi32>
    %sqrt3A_258 = math.sqrt %max3A_236 : vector<256x1xf32>
    %swap3A_259 = arith.constant 0 : index
    %swap3A_260 = arith.constant 0 : index
    %swap3A_261 = vector.load %arg7[%swap3A_259, %swap3A_260] : memref<256x1xf32, #tpu.memory_space<vmem>>, vector<256x1xf32>
    tpu.vector_store %arg7[%swap3A_259, %swap3A_260], %sqrt3A_258 {strides = array<i32>} : memref<256x1xf32, #tpu.memory_space<vmem>>, vector<256x1xf32>,
    %add3A_262 = arith.constant 6144 : i32
    %add3A_263 = vector.broadcast %add3A_262 : i32 to vector<256x1xi32>
    %add3A_264 = arith.addi %broadcast_in_dim3A_250, %add3A_263 : vector<256x1xi32>
    %swap3A_265 = arith.constant 0 : index
    %swap3A_266 = arith.constant 0 : index
    %swap3A_267 = vector.load %arg8[%swap3A_265, %swap3A_266] : memref<256x1xi32, #tpu.memory_space<vmem>>, vector<256x1xi32>
    tpu.vector_store %arg8[%swap3A_265, %swap3A_266], %add3A_264 {strides = array<i32>} : memref<256x1xi32, #tpu.memory_space<vmem>>, vector<256x1xi32>,
    %reduce_and3A_268 = arith.constant 1.000000e+00 : f32
    %reduce_and3A_269 = arith.constant 0.000000e+00 : f32
    %reduce_and3A_270 = vector.broadcast %reduce_and3A_268 : f32 to vector<256x1xf32>
    %reduce_and3A_271 = vector.broadcast %reduce_and3A_269 : f32 to vector<256x1xf32>
    %reduce_and3A_272 = arith.select %eq3A_257, %reduce_and3A_270, %reduce_and3A_271 : vector<256x1xi1>, vector<256x1xf32>
    %reduce_and3A_273 = vector.shape_cast %reduce_and3A_272 : vector<256x1xf32> to vector<1x256x1xf32>
    %reduce_and3A_274 = arith.constant dense<0x7F800000> : vector<1xf32>
    %reduce_and3A_275 = vector.multi_reduction <minimumf>, %reduce_and3A_273, %reduce_and3A_274 [1, 2] : vector<1x256x1xf32> to vector<1xf32>
    %reduce_and3A_276 = vector.shape_cast %reduce_and3A_275 : vector<1xf32> to vector<1x1x1xf32>
    %reduce_and3A_277 = vector.extract %reduce_and3A_276[0, 0, 0] : f32 from vector<1x1x1xf32>
    %reduce_and3A_278 = arith.constant 0.000000e+00 : f32
    %reduce_and3A_279 = arith.cmpf ogt, %reduce_and3A_277, %reduce_and3A_278 : f32
    %not3A_280 = arith.constant true
    %not3A_281 = arith.xori %reduce_and3A_279, %not3A_280 : i1
    %convert_element_type3A_282 = arith.extui %not3A_281 : i1 to i32
    %cond3A_283 = arith.constant 0 : i32
    %cond3A_284 = arith.cmpi ne, %convert_element_type3A_282, %cond3A_283 : i32
    scf.if %cond3A_284 {
      %max3A_316 = arith.constant 0.000000e+00 : f32
      %max3A_317 = vector.broadcast %max3A_316 : f32 to vector<256x2048xf32>
      %max3A_318 = arith.maximumf %slice3A_230, %max3A_317 : vector<256x2048xf32>
      %sqrt3A_319 = math.sqrt %max3A_318 : vector<256x2048xf32>
      %reduce_min3A_320 = arith.constant dense<0x7F800000> : vector<256xf32>
      %reduce_min3A_321 = vector.multi_reduction <minimumf>, %sqrt3A_319, %reduce_min3A_320 [1] : vector<256x2048xf32> to vector<256xf32>
      %broadcast_in_dim3A_322 = vector.shape_cast %reduce_min3A_321 : vector<256xf32> to vector<256x1xf32>
      %eq3A_323 = vector.broadcast %broadcast_in_dim3A_322 : vector<256x1xf32> to vector<256x2048xf32>
      %eq3A_324 = arith.cmpf oeq, %sqrt3A_319, %eq3A_323 : vector<256x2048xf32>
      %jit3A_325 = arith.constant 2048 : i32
      %broadcast_in_dim3A_326 = vector.broadcast %jit3A_325 : i32 to vector<256x2048xi32>
      %select_n3A_327 = arith.select %eq3A_324, %iota3A, %broadcast_in_dim3A_326 : vector<256x2048xi1>, vector<256x2048xi32>
      %reduce_min3A_328 = arith.constant dense<2147483647> : vector<256xi32>
      %reduce_min3A_329 = vector.multi_reduction <minsi>, %select_n3A_327, %reduce_min3A_328 [1] : vector<256x2048xi32> to vector<256xi32>
      %broadcast_in_dim3A_330 = vector.shape_cast %reduce_min3A_329 : vector<256xi32> to vector<256x1xi32>
      %swap3A_331 = arith.constant 0 : index
      %swap3A_332 = arith.constant 0 : index
      %swap3A_333 = vector.load %arg7[%swap3A_331, %swap3A_332] : memref<256x1xf32, #tpu.memory_space<vmem>>, vector<256x1xf32>
      tpu.vector_store %arg7[%swap3A_331, %swap3A_332], %broadcast_in_dim3A_322 {strides = array<i32>} : memref<256x1xf32, #tpu.memory_space<vmem>>, vector<256x1xf32>,
      %add3A_334 = arith.constant 6144 : i32
      %add3A_335 = vector.broadcast %add3A_334 : i32 to vector<256x1xi32>
      %add3A_336 = arith.addi %broadcast_in_dim3A_330, %add3A_335 : vector<256x1xi32>
      %swap3A_337 = arith.constant 0 : index
      %swap3A_338 = arith.constant 0 : index
      %swap3A_339 = vector.load %arg8[%swap3A_337, %swap3A_338] : memref<256x1xi32, #tpu.memory_space<vmem>>, vector<256x1xi32>
      tpu.vector_store %arg8[%swap3A_337, %swap3A_338], %add3A_336 {strides = array<i32>} : memref<256x1xi32, #tpu.memory_space<vmem>>, vector<256x1xi32>,
    } else {
    }
    %get3A_285 = arith.constant 0 : index
    %get3A_286 = arith.constant 0 : index
    %get3A_287 = vector.load %arg7[%get3A_285, %get3A_286] : memref<256x1xf32, #tpu.memory_space<vmem>>, vector<256x1xf32>
    %get3A_288 = arith.constant 0 : index
    %get3A_289 = arith.constant 0 : index
    %get3A_290 = vector.load %arg8[%get3A_288, %get3A_289] : memref<256x1xi32, #tpu.memory_space<vmem>>, vector<256x1xi32>
    %lt3A_291 = arith.cmpf olt, %get3A_287, %bitcast_convert_type3A_229 : vector<256x1xf32>
    %select_n3A_292 = arith.select %lt3A_291, %get3A_290, %select_n3A_212 : vector<256x1xi1>, vector<256x1xi32>
    %select_n3A_293 = arith.select %lt3A_291, %get3A_287, %select_n3A_213 : vector<256x1xi1>, vector<256x1xf32>
    %swap3A_294 = arith.constant 0 : index
    %swap3A_295 = arith.constant 0 : index
    %swap3A_296 = vector.load %arg5[%swap3A_294, %swap3A_295] : memref<256x1xi32, #tpu.memory_space<vmem>>, vector<256x1xi32>
    tpu.vector_store %arg5[%swap3A_294, %swap3A_295], %select_n3A_292 {strides = array<i32>} : memref<256x1xi32, #tpu.memory_space<vmem>>, vector<256x1xi32>,
    %eq3A_297 = arith.constant 0 : i32
    %eq3A_298 = arith.cmpi eq, %arg0, %eq3A_297 : i32
    %convert_element_type3A_299 = arith.extui %eq3A_298 : i1 to i32
    %cond3A_300 = arith.constant 0 : i32
    %cond3A_301 = arith.cmpi ne, %convert_element_type3A_299, %cond3A_300 : i32
    scf.if %cond3A_301 {
      %broadcast_in_dim3A_316 = arith.constant 0.000000e+00 : f32
      %broadcast_in_dim3A_317 = vector.broadcast %broadcast_in_dim3A_316 : f32 to vector<1x1xf32>
      %swap3A_318 = arith.constant 0 : index
      %swap3A_319 = arith.constant 0 : index
      %swap3A_320 = vector.load %arg6[%swap3A_318, %swap3A_319] : memref<1x1xf32, #tpu.memory_space<vmem>>, vector<1x1xf32>
      tpu.vector_store %arg6[%swap3A_318, %swap3A_319], %broadcast_in_dim3A_317 {strides = array<i32>} : memref<1x1xf32, #tpu.memory_space<vmem>>, vector<1x1xf32>,
    } else {
    }
    %get3A_302 = arith.constant 0 : index
    %get3A_303 = arith.constant 0 : index
    %get3A_304 = vector.load %arg6[%get3A_302, %get3A_303] : memref<1x1xf32, #tpu.memory_space<vmem>>, vector<1x1xf32>
    %mul3A_305 = arith.mulf %select_n3A_293, %select_n3A_293 : vector<256x1xf32>
    %reduce_sum3A_306 = vector.shape_cast %mul3A_305 : vector<256x1xf32> to vector<1x256x1xf32>
    %reduce_sum3A_307 = arith.constant dense<0.000000e+00> : vector<1xf32>
    %reduce_sum3A_308 = vector.multi_reduction <add>, %reduce_sum3A_306, %reduce_sum3A_307 [1, 2] : vector<1x256x1xf32> to vector<1xf32>
    %reduce_sum3A_309 = vector.shape_cast %reduce_sum3A_308 : vector<1xf32> to vector<1x1x1xf32>
    %reduce_sum3A_310 = vector.extract %reduce_sum3A_309[0, 0, 0] : f32 from vector<1x1x1xf32>
    %broadcast_in_dim3A_311 = vector.broadcast %reduce_sum3A_310 : f32 to vector<1x1xf32>
    %add3A_312 = arith.addf %get3A_304, %broadcast_in_dim3A_311 : vector<1x1xf32>
    %swap3A_313 = arith.constant 0 : index
    %swap3A_314 = arith.constant 0 : index
    %swap3A_315 = vector.load %arg6[%swap3A_313, %swap3A_314] : memref<1x1xf32, #tpu.memory_space<vmem>>, vector<1x1xf32>
    tpu.vector_store %arg6[%swap3A_313, %swap3A_314], %add3A_312 {strides = array<i32>} : memref<1x1xf32, #tpu.memory_space<vmem>>, vector<1x1xf32>,
    return
  }
  func.func @transform_0(%arg0: i32) -> (i32, i32) {
    %c0_i32 = arith.constant 0 : i32
    %c0_i32_0 = arith.constant 0 : i32
    return %arg0, %c0_i32 : i32, i32
  }
  func.func @transform_1(%arg0: i32) -> (i32, i32) {
    %c0_i32 = arith.constant 0 : i32
    %c0_i32_0 = arith.constant 0 : i32
    %c0_i32_1 = arith.constant 0 : i32
    return %c0_i32, %c0_i32_0 : i32, i32
  }
  func.func @transform_2(%arg0: i32) -> (i32, i32) {
    %c0_i32 = arith.constant 0 : i32
    %c0_i32_0 = arith.constant 0 : i32
    return %arg0, %c0_i32 : i32, i32
  }
  func.func @transform_3(%arg0: i32) -> (i32, i32) {
    %c0_i32 = arith.constant 0 : i32
    %c0_i32_0 = arith.constant 0 : i32
    %c0_i32_1 = arith.constant 0 : i32
    return %c0_i32, %c0_i32_0 : i32, i32
  }
  func.func @transform_4(%arg0: i32) -> (i32, i32) {
    %c0_i32 = arith.constant 0 : i32
    %c0_i32_0 = arith.constant 0 : i32
    return %arg0, %c0_i32 : i32, i32
  }
  func.func @transform_5(%arg0: i32) -> (i32, i32) {
    %c0_i32 = arith.constant 0 : i32
    %c0_i32_0 = arith.constant 0 : i32
    %c0_i32_1 = arith.constant 0 : i32
    return %c0_i32, %c0_i32_0 : i32, i32
  }
}

</mosaic_0001>

<sc_bundles>
// kernel: kernel.4.cloned.1.call-start
scs
__scs_entry_jumppad:
0x0: {  	(pc) =	sbr.rel $0x88, $3  }
0x1: {  	(tag) =	ssettag $0x0;
	lr =	simm.s32 $0x1  }
0x2: {  	[smem:$0x3F9F] =	sst lr;
	_ =	strace $0xD0000000  }
0x3: {  	_ = 	snop  }
0x4: {  	_ = 	snop  }
0x5: {  	_ = 	snop  }
0x6: {  	_ = 	snop  }
0x7: {  	_ = 	snop  }
__scs_overlays_trampoline_lowered:
0x8: {  	[smem:$0x3FAE] =	sst s0  }
0x9: {  	[smem:$0x3FAF] =	sst s1  }
0xa: {  	[smem:$0x3FB0] =	sst s2  }
0xb: {  	[smem:$0x3FB1] =	sst s3  }
0xc: {  	[smem:$0x3FB2] =	sst s4  }
0xd: {  	[smem:$0x3FB3] =	sst s5  }
0xe: {  	[smem:$0x3FB4] =	sst s6  }
0xf: {  	[smem:$0x3FB5] =	sst s7  }
0x10: {  	[smem:$0x3FB6] =	sst s8  }
0x11: {  	[smem:$0x3FB7] =	sst s9;
	s0 =	simm.s32 @!p0 $0x0  }
0x12: {  	s1 =	sld [smem:$0x3F9D];
	s0 =	simm.s32 @p0 $0x1  }
0x13: {  	[smem:$0x3FB8] =	sst s0;
	s0 =	simm.s32 @!p1 $0x0  }
0x14: {  	s2 =	sld [smem:$0x3F9C];
	s0 =	simm.s32 @p1 $0x1  }
0x15: {  	[smem:$0x3FB9] =	sst s0;
	s0 =	simm.s32 @!p2 $0x0  }
0x16: {  	s3 =	sld [smem:$0x3FDB];
	s0 =	simm.s32 @p2 $0x1  }
0x17: {  	s4 =	simm.s32 $0x1BF5;
	[smem:$0x3FBB] =	sst s0  }
0x18: {  	s0 =	sld [smem:$0x3F9E];
	_ =	swait.ge [sflag:s4], $0x0  }
0x19: {  	s7 =	sld [smem:$0x3F9F]  }
0x1a: {  	s8 =	sadd.s32 $0xFFFFE003, lr  }
0x1b: {  	s9 =	sadd.s32 $0xFFFFFEF7, lr;
	s5 =	simm.s32 $0xFFFFFFFF;
	p2 =	slt.u32 s8, $0xFFFFF086  }
0x1c: {  	p1 =	slt.u32 s9, $0xF7A;
	s5 =	simm.s32 @!p2 $0x0  }
0x1d: {  	s5 =	simm.s32 @p1 $0x1;
	p0 =	seq.s32 s7, s2  }
0x1e: {  	s7 =	smul.u32 @!p0 $0xF7A, s2;
	p2 =	seq.s32 @!p0 s5, $0x0  }
0x1f: {  	s9 =	smul.u32 $0xF7A, s1;
	s8 =	simm.s32 @!p0 $0x1BF5;
	p2 =	por !p2, p0  }
0x20: {  	[sflag:s8] =	ssyncset.s32 @!p0 $0xFFFFF086;
	s6 =	sadd.s32 @!p0 s3, s7;
	s7 =	simm.s32 @!p0 $0x108  }
0x21: {  	s3 =	sadd.s32 s3, s9;
	s6 =	sadd.s32 @!p0 $0x88, s6;
	s7 =	simm.s32 @p2 $0x1082  }
0x22: {  	[simem:s7], [sflag:s8] =	dma.local @!p0 [hbm:s6], $0xF7A  }
0x23: {  	s9 =	sor.u32 $0xD0000000, s2;
	s6 =	simm.s32 $0x108;
	_ =	swait.ge @!p0 [sflag:s8], $0x0  }
0x24: {  	s3 =	sadd.s32 $0x88, s3;
	s6 =	simm.s32 @!p1 $0x1082;
	[sflag:s4] =	ssyncset.s32 $0xFFFFF086  }
0x25: {  	[simem:s6], [sflag:s4] =	dma.local [hbm:s3], $0xF7A  }
0x26: {  	[smem:$0x3F9F] =	sst s1;
	(tag) =	ssettag s2;
	_ =	strace s9  }
0x27: {  	s1 =	sld [smem:$0x3FAF]  }
0x28: {  	s2 =	sld [smem:$0x3FB0]  }
0x29: {  	s4 =	sld [smem:$0x3FB2]  }
0x2a: {  	p0 =	seq.s32 s5, $0x0;
	s5 =	sld [smem:$0x3FB3]  }
0x2b: {  	s6 =	sld [smem:$0x3FB4]  }
0x2c: {  	s7 =	sld [smem:$0x3FB5]  }
0x2d: {  	s3 =	simm.s32 $0x108;
	s8 =	sld [smem:$0x3FB6]  }
0x2e: {  	s3 =	simm.s32 @!p0 $0x1082;
	s9 =	sld [smem:$0x3FB7]  }
0x2f: {  	lr =	sadd.s32 s0, s3;
	s0 =	sld [smem:$0x3FAE]  }
0x30: {  	s3 =	sld [smem:$0x3FB1]  }
0x31: {  	[smem:$0x3FBA] =	sst s10  }
0x32: {  	s10 =	sld [smem:$0x3FB8];
	_ =	sdelay $0x3  }
0x33: {  	p0 =	seq.s32 s10, $0x1;
	s10 =	sld [smem:$0x3FBA];
	_ =	sdelay $0x3  }
0x34: {  	[smem:$0x3FBA] =	sst s10  }
0x35: {  	s10 =	sld [smem:$0x3FB9];
	_ =	sdelay $0x3  }
0x36: {  	p1 =	seq.s32 s10, $0x1;
	s10 =	sld [smem:$0x3FBA];
	_ =	sdelay $0x3  }
0x37: {  	[smem:$0x3FBA] =	sst s10  }
0x38: {  	s10 =	sld [smem:$0x3FBB]  }
0x39: {  	_ = 	snop;
	(pc) =	sbr.ind lr, $3  }
0x3a: {  	_ = 	snop  }
0x3b: {  	_ = 	snop  }
0x3c: {  	p2 =	seq.s32 s10, $0x1;
	s10 =	sld [smem:$0x3FBA]  }
0x3d: {  	_ =	shalt  }
0x3e: {  	_ =	shalt  }
0x3f: {  	_ =	shalt  }
0x40: {  	_ =	shalt  }
0x41: {  	_ =	shalt  }
0x42: {  	_ =	shalt  }
0x43: {  	_ =	shalt  }
0x44: {  	_ =	shalt  }
0x45: {  	_ =	shalt  }
0x46: {  	_ =	shalt  }
0x47: {  	_ =	shalt  }
0x48: {  	_ =	shalt  }
0x49: {  	_ =	shalt  }
0x4a: {  	_ =	shalt  }
0x4b: {  	_ =	shalt  }
0x4c: {  	_ =	shalt  }
0x4d: {  	_ =	shalt  }
0x4e: {  	_ =	shalt  }
0x4f: {  	_ =	shalt  }
0x50: {  	_ =	shalt  }
0x51: {  	_ =	shalt  }
0x52: {  	_ =	shalt  }
0x53: {  	_ =	shalt  }
0x54: {  	_ =	shalt  }
0x55: {  	_ =	shalt  }
0x56: {  	_ =	shalt  }
0x57: {  	_ =	shalt  }
0x58: {  	_ =	shalt  }
0x59: {  	_ =	shalt  }
0x5a: {  	_ =	shalt  }
0x5b: {  	_ =	shalt  }
0x5c: {  	_ =	shalt  }
0x5d: {  	_ =	shalt  }
0x5e: {  	_ =	shalt  }
0x5f: {  	_ =	shalt  }
0x60: {  	_ =	shalt  }
0x61: {  	_ =	shalt  }
0x62: {  	_ =	shalt  }
0x63: {  	_ =	shalt  }
0x64: {  	_ =	shalt  }
0x65: {  	_ =	shalt  }
0x66: {  	_ =	shalt  }
0x67: {  	_ =	shalt  }
0x68: {  	_ =	shalt  }
0x69: {  	_ =	shalt  }
0x6a: {  	_ =	shalt  }
0x6b: {  	_ =	shalt  }
0x6c: {  	_ =	shalt  }
0x6d: {  	_ =	shalt  }
0x6e: {  	_ =	shalt  }
0x6f: {  	_ =	shalt  }
0x70: {  	_ =	shalt  }
0x71: {  	_ =	shalt  }
0x72: {  	_ =	shalt  }
0x73: {  	_ =	shalt  }
0x74: {  	_ =	shalt  }
0x75: {  	_ =	shalt  }
0x76: {  	_ =	shalt  }
0x77: {  	_ =	shalt  }
0x78: {  	_ =	shalt  }
0x79: {  	_ =	shalt  }
0x7a: {  	_ =	shalt  }
0x7b: {  	_ =	shalt  }
0x7c: {  	_ =	shalt  }
0x7d: {  	_ =	shalt  }
0x7e: {  	_ =	shalt  }
0x7f: {  	_ =	shalt  }
0x80: {  	_ =	shalt  }
0x81: {  	_ =	shalt  }
0x82: {  	_ =	shalt  }
0x83: {  	_ =	shalt  }
0x84: {  	_ =	shalt  }
0x85: {  	_ =	shalt  }
0x86: {  	_ =	shalt  }
0x87: {  	_ =	shalt  }
.Lfunc_end0:
.L_simem_size_0:
called_computation_lowered:
.L_overlay_start_0:
0x88: {  	s2 =	sld [smem:$0x3FD9]  }
0x89: {  	s3 =	sld [smem:$0x3FFE];
	_ =	sdelay $0x1  }
0x8a: {  	s1 =	srdreg.scid  }
0x8b: {  	s0 =	sand.u32 $0x1, s1  }
0x8c: {  	s14 =	sshll.u32 s0, $0xA;
	s2 =	sadd.s32 s3, s2  }
0x8d: {  	s2 =	sadd.s32 s2, s14  }
0x8e: {  	[smem:$0x3FC6] =	sst s2  }
0x8f: {  	_ = 	snop  }
0x90: {  	s2 =	sld [smem:$0x3FD0];
	_ =	sdelay $0x2  }
0x91: {  	s15 =	simm.s32 $0xA;
	s4 =	simm.s32 $0x10  }
0x92: {  	[smem:s4], [sflag:s15] =	dma.local [hbm:s2], $0x1  }
0x93: {  	_ =	swait.eq [sflag:s15], $0x1  }
0x94: {  	[sflag:s15] =	ssyncset.done $0x0  }
0x95: {  	[sflag:s15] =	ssyncadd.s32 $0xFFFFFFFF  }
0x96: {  	s16 =	sld [smem:$0x11];
	(tm) =	ssettm $0x1  }
0x97: {  	s17 =	sld [smem:$0x3FFB];
	_ =	sdelay $0x3  }
0x98: {  	_ =	strace s17  }
0x99: {  	s3 =	sld [smem:$0x3FFC];
	_ =	sdelay $0x3  }
0x9a: {  	_ =	strace s3  }
0x9b: {  	s3 =	sld [smem:$0x3FFD];
	_ =	sdelay $0x3  }
0x9c: {  	_ =	strace s3  }
0x9d: {  	_ =	strace $0x8FFFFFFF  }
0x9e: {  	s18 =	sld [smem:$0x3FDB];
	_ =	sdelay $0x1  }
0x9f: {  	s19 =	simm.s32 $_scs_section_size  }
0xa0: {  	s5 =	simm.s32 $_size__tile_overlayer_lowered;
	s6 =	simm.s32 $_tile_overlayer_lowered  }
0xa1: {  	s22 =	simm.s32 $0x1BFF;
	s21 =	sshll.u32 s6, $0x1;
	s3 =	sadd.s32 s19, s18  }
0xa2: {  	s7 =	simm.s32 $0x0;
	s20 =	sshll.u32 s5, $0x1;
	s5 =	sadd.s32 s21, s3  }
0xa3: {  	[timem:s7], [sflag:s22] =	dma.local [hbm:s5], s20  }
0xa4: {  	_ =	swait.ge [sflag:s22], s20  }
0xa5: {  	s4 =	ssub.s32 $0x0, s20;
	[sflag:s22] =	ssyncset.done $0x0  }
0xa6: {  	[sflag:s22] =	ssyncadd.s32 s4;
	_ =	sdelay $0x1  }
0xa7: {  	s23 =	simm.s32 $0x1B8B  }
0xa8: {  	_ =	swait.ge [sflag:s23], $0x1  }
0xa9: {  	[sflag:s23] =	ssyncset.done $0x0  }
0xaa: {  	s25 =	simm.s32 $0x1B8E;
	s24 =	sld [smem:$0x3FFE];
	[sflag:s23] =	ssyncadd.s32 $0xFFFFFFFF  }
0xab: {  	s26 =	simm.s32 $execute0_lowered;
	[smem:$0x3FD2] =	sst s25  }
0xac: {  	s5 =	sshll.u32 s26, $0x1;
	_ =	strace $0x80000046;
	[dreg:$0x1] =	wrdreg $0xFFFFFFFF  }
0xad: {  	s28 =	simm.s32 $_size_execute0_lowered;
	s3 =	sadd.s32 s3, s5;
	[dreg:$0x0] =	wrdreg $0x0  }
0xae: {  	s5 =	sshll.u32 s28, $0x1;
	[dreg:$0x2] =	wrdreg s3  }
0xaf: {  	[dreg:$0x3] =	wrdreg s5  }
0xb0: {  	[dreg:$0x4] =	wrdreg $0xC0  }
0xb1: {  	_ =	task [dreg:s7], $0x5FFFF  }
0xb2: {  	[dreg:$0x1] =	wrdreg $0xFFFFFFFF  }
0xb3: {  	[dreg:$0x0] =	wrdreg $0x60  }
0xb4: {  	[dreg:$0x2] =	wrdreg s24  }
0xb5: {  	[dreg:$0x3] =	wrdreg s16  }
0xb6: {  	[dreg:$0x4] =	wrdreg $0x9  }
0xb7: {  	_ =	task.clear_ibuf [dreg:s7], $0x5FFFF;
	_ =	strace $0x90000046  }
0xb8: {  	s29 =	simm.s32 $0x9;
	_ =	strace $0x80000048  }
0xb9: {  	_ =	swait.ge [sflag:s29], $0x1  }
0xba: {  	[sflag:s29] =	ssyncadd.s32 $0xFFFFFFFF  }
0xbb: {  	_ =	strace $0x90000048  }
0xbc: {  	_ =	sfence  }
0xbd: {  	s30 =	sld [smem:$0x0];
	_ =	sdelay $0x2  }
0xbe: {  	s31 =	sshll.u32 s1, $0xD;
	s1 =	sshrl.u32 s1, $0x2  }
0xbf: {  	s3 =	sand.u32 $0x4000, s31;
	s1 =	sadd.s32 s1, s30  }
0xc0: {  	s0 =	sor.u32 s3, s0;
	s1 =	sshll.u32 s1, $0x11  }
0xc1: {  	s0 =	sor.u32 s1, s0  }
0xc2: {  	s0 =	sadd.s32 $0x8F2B, s0  }
0xc3: {  	[sflag:s0] =	ssyncadd.remote.s32 $0x1  }
0xc4: {  	_ =	sfence.sel $0xFFFF  }
0xc5: {  	[dreg:$0x0] =	wrdreg $0xFFFFFFFF;
	(pc) =	sbr.abs _section_cstart, $3  }
0xc6: {  	[dreg:$0x1] =	wrdreg $0xFFFFFFFF  }
0xc7: {  	_ =	task.clear_ibuf [dreg:s7], $0x2FFFF;
	_ =	strace $0x9FFFFFFF  }
0xc8: {  	(tm) =	ssettm $0x7FFFFFFF  }
0xc9: {  	_ =	shalt  }
tec
execute0_lowered:
.L_overlay_start_1:
0x0: {  	(tag) =	ssettag $0x1  }
0x1: {  	s1 =	srdreg.scid;
	s2 =	rddreg [dreg:$0x0]  }
0x2: {  	s0 =	stileid.u32;
	s4 =	rddreg [dreg:$0x1];
	s6 =	sand.u32 $0x1, s1  }
0x3: {  	s3 =	simm.s32 $0x0;
	s5 =	sshll.u32 s0, $0x9;
	s7 =	sshll.u32 s6, $0x8  }
0x4: {  	[smem:$0x7FF] =	sst s3;
	s8 =	sor.u32 s7, s5  }
0x5: {  	s1 =	rddreg [dreg:$0x2];
	_ =	strace $0x80000047;
	s5 =	sshrl.u32 s8, $0x3  }
0x6: {  	s9 =	ssub.s32 $0x2, s6;
	s5 =	sadd.s32 s4, s5;
	s4 =	simm.s32 $0x2  }
0x7: {  	[tilespmem:s3], [sflag:$0x2] =	stream.linear.gather [hbm4b:s5+s3], $0x100, $0x38;
	[tilespmem:$0x8100] =	vst v63  }
0x8: {  	s10 =	sshrl.u32 s9, $0x1;
	_ =	swait.ge [sflag:s4], $0x100  }
0x9: {  	s6 =	simm.s32 $0x100;
	s9 =	ssub.s32 s9, s10;
	[sflag:s4] =	ssyncset.done $0x0  }
0xa: {  	s7 =	simm.s32 $0x1;
	s9 =	smax.u32 s9, $0x1;
	[sflag:s4] =	ssyncadd.s32 $0xFFFFFF00  }
0xb: {  	[tilespmem:s6], [sflag:$0x1] =	stream.indirect.gather [hbm4b:s2+s6], $0x80, s3, s6, $0xb8;
	[tilespmem:$0x8100] =	vst v63  }
0xc: {  	s8 =	sshll.u32 s8, $0x4;
	p0 =	sne.s32 s9, $0x1;
	_ =	swait.ge [sflag:s7], $0x8000  }
.Ltmp0:
0xd: {  	s8 =	sadd.s32 s8, s2;
	[sflag:s7] =	ssyncset.done $0x0;
	(pc) =	sbr.rel @!p0 .LBB2_2-.Ltmp0, $4  }
0xe: {  	s8 =	sadd.s32 $0x20000, s8;
	[sflag:s7] =	ssyncadd.s32 $0xFFFF8000  }
0xf: {  	[hbm4b:s8+s3] =	stream.linear.scatter [tilespmem:s6], [sflag:$0x2], $0x8000, $0x38;
	[tilespmem:$0x8100] =	vst v63  }
0x10: {  	_ =	swait.ge [sflag:s4], $0x8000  }
0x11: {  	s9 =	sadd.s32 $0xFFFFFFFF, s9;
	[sflag:s4] =	ssyncset.done $0x0  }
.LBB2_1:
0x12: {  	p0 =	sne.s32 s9, $0x1;
	s9 =	sadd.s32 $0xFFFFFFFF, s9;
	[sflag:s4] =	ssyncadd.s32 $0xFFFF8000  }
0x13: {  	[tilespmem:s3], [sflag:$0x2] =	stream.linear.gather [hbm4b:s5+s3], $0x100, $0x38;
	[tilespmem:$0x8100] =	vst v63  }
0x14: {  	_ =	swait.ge [sflag:s4], $0x100  }
0x15: {  	[sflag:s4] =	ssyncset.done $0x0  }
0x16: {  	[sflag:s4] =	ssyncadd.s32 $0xFFFFFF00  }
0x17: {  	[tilespmem:s6], [sflag:$0x1] =	stream.indirect.gather [hbm4b:s2+s6], $0x80, s3, s6, $0xb8;
	[tilespmem:$0x8100] =	vst v63  }
0x18: {  	_ =	swait.ge [sflag:s7], $0x8000  }
.Ltmp1:
0x19: {  	[sflag:s7] =	ssyncset.done $0x0;
	(pc) =	sbr.rel @p0 .LBB2_1-.Ltmp1, $4  }
0x1a: {  	[sflag:s7] =	ssyncadd.s32 $0xFFFF8000  }
0x1b: {  	[hbm4b:s8+s3] =	stream.linear.scatter [tilespmem:s6], [sflag:$0x2], $0x8000, $0x38;
	[tilespmem:$0x8100] =	vst v63  }
0x1c: {  	_ =	swait.ge [sflag:s4], $0x8000  }
0x1d: {  	[sflag:s4] =	ssyncset.done $0x0  }
.LBB2_2:
0x1e: {  	[sflag:s4] =	ssyncadd.s32 $0xFFFF8000  }
0x1f: {  	_ =	sfence.sel $0x180000  }
0x20: {  	[bflag:$0x0] =	sbarrier.arrive $0xFFFF  }
0x21: {  	p0 =	sne.s32 s0, $0x0;
	_ =	strace $0x90000047  }
0x22: {  	s0 =	sadd.s32 @!p0 $0x100000, s1;
	[bflag:$0x2] =	sbarrier.arrive $0xFFFF  }
0x23: {  	[sflag:s0] =	ssyncadd.tile.s32 @!p0 $0x1;
	_ =	shalt  }
.Lfunc_end2:
_tile_overlayer_lowered:
.L_overlay_start_2:
0x24: {  	(tag) =	ssettag $0x2  }
0x25: {  	s0 =	rddreg [dreg:$0x0];
	s2 =	stileid.u32  }
0x26: {  	s1 =	rddreg [dreg:$0x1];
	p0 =	sne.s32 s2, $0x0  }
0x27: {  	s3 =	rddreg [dreg:$0x2];
	[bflag:$0x3] =	sbarrier.arrive $0xFFFF;
	s2 =	simm.s32 @!p0 $0x1C02  }
0x28: {  	[timem:s3], [sflag:s2] =	dma.local @!p0 [hbm:s0], s1  }
0x29: {  	s0 =	simm.s32 @!p0 $0x2  }
0x2a: {  	_ =	swait.ge @!p0 [sflag:s0], s1  }
0x2b: {  	s1 =	ssub.s32 @!p0 $0x0, s1;
	[sflag:s0] =	ssyncset.done @!p0 $0x0  }
0x2c: {  	[sflag:s0] =	ssyncadd.s32 @!p0 s1  }
0x2d: {  	[bflag:$0x3] =	sbarrier.arrive $0xFFFF  }
0x2e: {  	_ =	shalt  }

</sc_bundles>
